<compile_context>
chip_gen: v7x
topology: tpu7x:2x2x1
jax: 0.10.2.dev20260603
libtpu: 0.0.44.dev20260713+nightly
codegen_flags: <defaults>
</compile_context>

<pallas_src>
import functools

import jax
import jax.numpy as jnp
from jax import lax
from jax.experimental import pallas as pl
from jax.experimental.pallas import tpu as pltpu
from jax.experimental.pallas import tpu_sc as plsc

N_CODES = 1024
E_DIM = 64
N_TOK = 9216
BETA = 0.25
BPB = 4
R = BPB * 576
NB = N_TOK // R

_SC_INFO = plsc.get_sparse_core_info()
_NC, _NS = _SC_INFO.num_cores, _SC_INFO.num_subcores
_NW = _NC * _NS
_CHUNK = 96
_TPW = N_TOK // _NW
_CPW = _TPW // _CHUNK


def _tc_a_body(z_ref, emb_ref, idx_ref, loss_ref, loss_acc):
    i = pl.program_id(0)
    z = z_ref[...].reshape(R, E_DIM)
    emb = emb_ref[...]

    sq = z * z
    zs = lax.dot_general(jnp.ones((1, E_DIM), jnp.float32), sq,
                         (((1,), (1,)), ((), ())),
                         preferred_element_type=jnp.float32,
                         precision=lax.Precision.HIGHEST)
    es = jnp.sum(emb * emb, axis=1, keepdims=True)
    mm = lax.dot_general(emb, z, (((1,), (1,)), ((), ())),
                         preferred_element_type=jnp.float32)
    d = (zs + es) - 2.0 * mm

    m = jnp.min(d, axis=0, keepdims=True)
    kiota = lax.broadcasted_iota(
        jnp.int32, (N_CODES, 1), 0).astype(jnp.float32)
    idxf = jnp.min(jnp.where(d == m, kiota, float(2 * N_CODES)),
                   axis=0, keepdims=True)
    idx_ref[pl.ds(i * R, R)] = idxf[0].astype(jnp.int32)

    bs = jnp.sum(m)

    @pl.when(i == 0)
    def _():
        loss_acc[0, 0] = bs

    @pl.when(i > 0)
    def _():
        loss_acc[0, 0] = loss_acc[0, 0] + bs

    @pl.when(i == NB - 1)
    def _():
        total = loss_acc[0, 0]
        loss_ref[...] = jnp.full(
            (1, 1), (1.0 + BETA) * (total / float(N_TOK * E_DIM)),
            dtype=jnp.float32)


def _tc_a(z, emb):
    return pl.pallas_call(
        _tc_a_body,
        grid=(NB,),
        in_specs=[
            pl.BlockSpec((BPB, 576, E_DIM), lambda i: (i, 0, 0)),
            pl.BlockSpec((N_CODES, E_DIM), lambda i: (0, 0)),
        ],
        out_specs=[
            pl.BlockSpec((N_TOK,), lambda i: (0,)),
            pl.BlockSpec((1, 1), lambda i: (0, 0)),
        ],
        out_shape=[
            jax.ShapeDtypeStruct((N_TOK,), jnp.int32),
            jax.ShapeDtypeStruct((1, 1), jnp.float32),
        ],
        scratch_shapes=[
            pltpu.SMEM((1, 1), jnp.float32),
        ],
    )(z, emb)


def _tc_b_body(idx_ref, plex_ref):
    idx = idx_ref[...].reshape(1, N_TOK).astype(jnp.float32)
    kiota = lax.broadcasted_iota(
        jnp.int32, (N_CODES, 1), 0).astype(jnp.float32)
    onehot = (idx == kiota).astype(jnp.float32)
    cnt = lax.dot_general(onehot, jnp.ones((1, N_TOK), jnp.float32),
                          (((1,), (1,)), ((), ())),
                          preferred_element_type=jnp.float32)
    e_mean = cnt / float(N_TOK)
    ent = jnp.sum(e_mean * jnp.log(e_mean + 1e-10),
                  axis=0, keepdims=True)
    plex_ref[...] = jnp.exp(-ent)


def _tc_b(idx):
    return pl.pallas_call(
        _tc_b_body,
        out_shape=jax.ShapeDtypeStruct((1, 1), jnp.float32),
    )(idx)


@functools.partial(
    pl.kernel,
    out_type=jax.ShapeDtypeStruct((16, 576, E_DIM), jnp.float32),
    mesh=plsc.VectorSubcoreMesh(core_axis_name="c", subcore_axis_name="s"),
    compiler_params=pltpu.CompilerParams(use_tc_tiling_on_sc=False),
    scratch_types=[
        pltpu.VMEM((_TPW,), jnp.int32),
        pltpu.VMEM((_TPW, E_DIM), jnp.float32),
        pltpu.SemaphoreType.DMA,
    ],
)
def _sc_gather(emb_hbm, idx_hbm, out_hbm, idx_v, rows_v, sem):
    wid = lax.axis_index("s") * _NC + lax.axis_index("c")
    base = wid * _TPW
    pltpu.sync_copy(idx_hbm.at[pl.ds(base, _TPW)], idx_v)
    copies = [
        pltpu.async_copy(
            emb_hbm.at[idx_v.at[pl.ds(j * _CHUNK, _CHUNK)]],
            rows_v.at[pl.ds(j * _CHUNK, _CHUNK)], sem)
        for j in range(_CPW)
    ]
    for c in copies:
        c.wait()
    b, half = wid // 2, wid % 2
    pltpu.sync_copy(rows_v, out_hbm.at[b, pl.ds(half * _TPW, _TPW)])


@jax.jit
def kernel(z, emb):
    idx, loss = _tc_a(z, emb)
    z_q_st = _sc_gather(emb, idx)
    plex = _tc_b(idx)
    return (loss[0, 0], z_q_st, idx, plex[0, 0])

# --- scband reference (transcript-rebuilt; emitter-appended) ---
"""Pipeline reference for scband-quantizer-59244778881303 (READ-ONLY COPY).

The authoritative reference and input builder live on the scoring server;
editing this copy changes nothing except your own understanding.
"""

import jax, jax.numpy as jnp
import numpy as np

N_E = 1024
E_DIM = 64
BETA = 0.25

def setup_inputs(seed: int = 0) -> dict:
    key = jax.random.key(seed)
    k1, k2 = jax.random.split(key)
    z = jax.random.normal(k1, (16, 576, E_DIM), dtype=jnp.float32)
    emb = jax.random.uniform(k2, (N_E, E_DIM), dtype=jnp.float32, minval=-1.0 / N_E, maxval=1.0 / N_E)
    return {"z": z, "emb": emb}

def reference(z, emb):
    z_flattened = z.reshape(-1, E_DIM)
    d = (jnp.sum(z_flattened ** 2, axis=1, keepdims=True)
         + jnp.sum(emb ** 2, axis=1)
         - 2.0 * jnp.matmul(z_flattened, emb.T))
    min_encoding_indices = jnp.argmin(d, axis=1)
    z_q = jnp.take(emb, min_encoding_indices, axis=0).reshape(z.shape)
    loss = jnp.mean((z_q - jax.lax.stop_gradient(z)) ** 2) + BETA * jnp.mean((jax.lax.stop_gradient(z_q) - z) ** 2)
    z_q_st = z + jax.lax.stop_gradient(z_q - z)
    min_encodings = jax.nn.one_hot(min_encoding_indices, N_E, dtype=z.dtype)
    e_mean = jnp.mean(min_encodings, axis=0)
    perplexity = jnp.exp(-jnp.sum(e_mean * jnp.log(e_mean + 1e-10)))
    return (loss, z_q_st, min_encoding_indices, perplexity)

if __name__ == "__main__":
    import jax
    _d = setup_inputs()
    print(jax.jit(kernel)(*tuple(_d.values())))

</pallas_src>

<mosaic_0001>
#map = affine_map<(d0, d1) -> (0, 0)>
#map1 = affine_map<(d0, d1) -> (0)>
#map2 = affine_map<(d0, d1) -> (0, 0, 0)>
module attributes {stable_mosaic.version = 14 : i64} {
  func.func @_sc_gather(%arg0: i32, %arg1: i32, %arg2: memref<1024x64xf32, #tpu.memory_space<hbm>>, %arg3: memref<9216xi32, #tpu.memory_space<hbm>>, %arg4: memref<16x576x64xf32, #tpu.memory_space<hbm>>, %arg5: memref<288xi32, #tpu.memory_space<vmem>>, %arg6: memref<288x64xf32, #tpu.memory_space<vmem>>, %arg7: memref<!tpu.dma_semaphore, #tpu.memory_space<semaphore_mem>>) attributes {dimension_semantics = [#tpu.dimension_semantics<core_parallel>, #tpu.dimension_semantics<subcore_parallel>], iteration_bounds = array<i64: 2, 16>, scalar_prefetch = 0 : i64, scratch_operands = 3 : i64, tpu.core_type = #tpu.core_type<sc_vector_subcore>, window_params = [{transform_indices = #map}, {transform_indices = #map1}, {transform_indices = #map2}]} {
    %mul3A = arith.constant 2 : i32
    %mul3A_0 = arith.muli %arg1, %mul3A : i32
    %add3A = arith.addi %mul3A_0, %arg0 : i32
    %mul3A_1 = arith.constant 288 : i32
    %mul3A_2 = arith.muli %add3A, %mul3A_1 : i32
    "tpu.region"() ({
      %run_scoped3A = tpu.sem_alloc : memref<!tpu.dma_semaphore, #tpu.memory_space<semaphore_mem>>
      %dma_start3A_81 = tpu.memref_slice %arg3[%mul3A_2] : memref<9216xi32, #tpu.memory_space<hbm>> -> memref<288xi32, #tpu.memory_space<hbm>>
      %dma_start3A_82 = tpu.memref_slice %arg3[%mul3A_2] : memref<9216xi32, #tpu.memory_space<hbm>> -> memref<288xi32, #tpu.memory_space<hbm>>
      tpu.enqueue_dma source(%dma_start3A_82 : memref<288xi32, #tpu.memory_space<hbm>>) target(%arg5 : memref<288xi32, #tpu.memory_space<vmem>>) target_semaphore(%run_scoped3A : memref<!tpu.dma_semaphore, #tpu.memory_space<semaphore_mem>>)
      %dma_wait3A_83 = tpu.memref_slice %arg3[%mul3A_2] : memref<9216xi32, #tpu.memory_space<hbm>> -> memref<288xi32, #tpu.memory_space<hbm>>
      %dma_wait3A_84 = tpu.memref_slice %arg3[%mul3A_2] : memref<9216xi32, #tpu.memory_space<hbm>> -> memref<288xi32, #tpu.memory_space<hbm>>
      tpu.wait_dma2 semaphore(%run_scoped3A : memref<!tpu.dma_semaphore, #tpu.memory_space<semaphore_mem>>) src(%dma_wait3A_84 : memref<288xi32, #tpu.memory_space<hbm>>) dst(%arg5 : memref<288xi32, #tpu.memory_space<vmem>>)
      tpu.yield
    }) : () -> ()
    %dma_start3A = arith.constant 0 : i32
    %dma_start3A_3 = arith.constant 0 : i32
    %dma_start3A_4 = tpu.memref_slice %arg6[%dma_start3A, %dma_start3A_3] : memref<288x64xf32, #tpu.memory_space<vmem>> -> memref<96x64xf32, #tpu.memory_space<vmem>>
    %dma_start3A_5 = arith.constant 0 : i32
    %dma_start3A_6 = tpu.memref_slice %arg5[%dma_start3A_5] : memref<288xi32, #tpu.memory_space<vmem>> -> memref<96xi32, #tpu.memory_space<vmem>>
    %dma_start3A_7 = arith.constant 0 : i32
    %dma_start3A_8 = arith.constant 0 : i32
    %dma_start3A_9 = tpu.memref_slice %arg2[%dma_start3A_7, %dma_start3A_8] : memref<1024x64xf32, #tpu.memory_space<hbm>> -> memref<1024x64xf32, #tpu.memory_space<hbm>>
    tpu.enqueue_indirect_dma source(%dma_start3A_9 : memref<1024x64xf32, #tpu.memory_space<hbm>>) target(%dma_start3A_4 : memref<96x64xf32, #tpu.memory_space<vmem>>) offsets(%dma_start3A_6 : memref<96xi32, #tpu.memory_space<vmem>>) semaphore(%arg7 : memref<!tpu.dma_semaphore, #tpu.memory_space<semaphore_mem>>)
    %dma_start3A_10 = arith.constant 96 : i32
    %dma_start3A_11 = arith.constant 0 : i32
    %dma_start3A_12 = tpu.memref_slice %arg6[%dma_start3A_10, %dma_start3A_11] : memref<288x64xf32, #tpu.memory_space<vmem>> -> memref<96x64xf32, #tpu.memory_space<vmem>>
    %dma_start3A_13 = arith.constant 96 : i32
    %dma_start3A_14 = tpu.memref_slice %arg5[%dma_start3A_13] : memref<288xi32, #tpu.memory_space<vmem>> -> memref<96xi32, #tpu.memory_space<vmem>>
    %dma_start3A_15 = arith.constant 0 : i32
    %dma_start3A_16 = arith.constant 0 : i32
    %dma_start3A_17 = tpu.memref_slice %arg2[%dma_start3A_15, %dma_start3A_16] : memref<1024x64xf32, #tpu.memory_space<hbm>> -> memref<1024x64xf32, #tpu.memory_space<hbm>>
    tpu.enqueue_indirect_dma source(%dma_start3A_17 : memref<1024x64xf32, #tpu.memory_space<hbm>>) target(%dma_start3A_12 : memref<96x64xf32, #tpu.memory_space<vmem>>) offsets(%dma_start3A_14 : memref<96xi32, #tpu.memory_space<vmem>>) semaphore(%arg7 : memref<!tpu.dma_semaphore, #tpu.memory_space<semaphore_mem>>)
    %dma_start3A_18 = arith.constant 192 : i32
    %dma_start3A_19 = arith.constant 0 : i32
    %dma_start3A_20 = tpu.memref_slice %arg6[%dma_start3A_18, %dma_start3A_19] : memref<288x64xf32, #tpu.memory_space<vmem>> -> memref<96x64xf32, #tpu.memory_space<vmem>>
    %dma_start3A_21 = arith.constant 192 : i32
    %dma_start3A_22 = tpu.memref_slice %arg5[%dma_start3A_21] : memref<288xi32, #tpu.memory_space<vmem>> -> memref<96xi32, #tpu.memory_space<vmem>>
    %dma_start3A_23 = arith.constant 0 : i32
    %dma_start3A_24 = arith.constant 0 : i32
    %dma_start3A_25 = tpu.memref_slice %arg2[%dma_start3A_23, %dma_start3A_24] : memref<1024x64xf32, #tpu.memory_space<hbm>> -> memref<1024x64xf32, #tpu.memory_space<hbm>>
    tpu.enqueue_indirect_dma source(%dma_start3A_25 : memref<1024x64xf32, #tpu.memory_space<hbm>>) target(%dma_start3A_20 : memref<96x64xf32, #tpu.memory_space<vmem>>) offsets(%dma_start3A_22 : memref<96xi32, #tpu.memory_space<vmem>>) semaphore(%arg7 : memref<!tpu.dma_semaphore, #tpu.memory_space<semaphore_mem>>)
    %dma_wait3A = arith.constant 0 : i32
    %dma_wait3A_26 = arith.constant 0 : i32
    %dma_wait3A_27 = tpu.memref_slice %arg6[%dma_wait3A, %dma_wait3A_26] : memref<288x64xf32, #tpu.memory_space<vmem>> -> memref<96x64xf32, #tpu.memory_space<vmem>>
    %dma_wait3A_28 = arith.constant 0 : i32
    %dma_wait3A_29 = tpu.memref_slice %arg5[%dma_wait3A_28] : memref<288xi32, #tpu.memory_space<vmem>> -> memref<96xi32, #tpu.memory_space<vmem>>
    %dma_wait3A_30 = arith.constant 0 : i32
    %dma_wait3A_31 = arith.constant 0 : i32
    %dma_wait3A_32 = tpu.memref_slice %arg2[%dma_wait3A_30, %dma_wait3A_31] : memref<1024x64xf32, #tpu.memory_space<hbm>> -> memref<1024x64xf32, #tpu.memory_space<hbm>>
    tpu.wait_indirect_dma semaphore(%arg7 : memref<!tpu.dma_semaphore, #tpu.memory_space<semaphore_mem>>) src(%dma_wait3A_32 : memref<1024x64xf32, #tpu.memory_space<hbm>>) dst(%dma_wait3A_27 : memref<96x64xf32, #tpu.memory_space<vmem>>)
    %dma_wait3A_33 = arith.constant 96 : i32
    %dma_wait3A_34 = arith.constant 0 : i32
    %dma_wait3A_35 = tpu.memref_slice %arg6[%dma_wait3A_33, %dma_wait3A_34] : memref<288x64xf32, #tpu.memory_space<vmem>> -> memref<96x64xf32, #tpu.memory_space<vmem>>
    %dma_wait3A_36 = arith.constant 96 : i32
    %dma_wait3A_37 = tpu.memref_slice %arg5[%dma_wait3A_36] : memref<288xi32, #tpu.memory_space<vmem>> -> memref<96xi32, #tpu.memory_space<vmem>>
    %dma_wait3A_38 = arith.constant 0 : i32
    %dma_wait3A_39 = arith.constant 0 : i32
    %dma_wait3A_40 = tpu.memref_slice %arg2[%dma_wait3A_38, %dma_wait3A_39] : memref<1024x64xf32, #tpu.memory_space<hbm>> -> memref<1024x64xf32, #tpu.memory_space<hbm>>
    tpu.wait_indirect_dma semaphore(%arg7 : memref<!tpu.dma_semaphore, #tpu.memory_space<semaphore_mem>>) src(%dma_wait3A_40 : memref<1024x64xf32, #tpu.memory_space<hbm>>) dst(%dma_wait3A_35 : memref<96x64xf32, #tpu.memory_space<vmem>>)
    %dma_wait3A_41 = arith.constant 192 : i32
    %dma_wait3A_42 = arith.constant 0 : i32
    %dma_wait3A_43 = tpu.memref_slice %arg6[%dma_wait3A_41, %dma_wait3A_42] : memref<288x64xf32, #tpu.memory_space<vmem>> -> memref<96x64xf32, #tpu.memory_space<vmem>>
    %dma_wait3A_44 = arith.constant 192 : i32
    %dma_wait3A_45 = tpu.memref_slice %arg5[%dma_wait3A_44] : memref<288xi32, #tpu.memory_space<vmem>> -> memref<96xi32, #tpu.memory_space<vmem>>
    %dma_wait3A_46 = arith.constant 0 : i32
    %dma_wait3A_47 = arith.constant 0 : i32
    %dma_wait3A_48 = tpu.memref_slice %arg2[%dma_wait3A_46, %dma_wait3A_47] : memref<1024x64xf32, #tpu.memory_space<hbm>> -> memref<1024x64xf32, #tpu.memory_space<hbm>>
    tpu.wait_indirect_dma semaphore(%arg7 : memref<!tpu.dma_semaphore, #tpu.memory_space<semaphore_mem>>) src(%dma_wait3A_48 : memref<1024x64xf32, #tpu.memory_space<hbm>>) dst(%dma_wait3A_43 : memref<96x64xf32, #tpu.memory_space<vmem>>)
    %jit3A = arith.constant 2 : i32
    %div3A = arith.divsi %add3A, %jit3A : i32
    %sign3A = arith.constant 0 : i32
    %sign3A_49 = arith.cmpi sgt, %add3A, %sign3A : i32
    %sign3A_50 = arith.extui %sign3A_49 : i1 to i32
    %sign3A_51 = arith.constant 0 : i32
    %sign3A_52 = arith.cmpi slt, %add3A, %sign3A_51 : i32
    %sign3A_53 = arith.extui %sign3A_52 : i1 to i32
    %sign3A_54 = arith.subi %sign3A_50, %sign3A_53 : i32
    %sign3A_55 = arith.constant 0 : i32
    %sign3A_56 = arith.cmpi sgt, %jit3A, %sign3A_55 : i32
    %sign3A_57 = arith.extui %sign3A_56 : i1 to i32
    %sign3A_58 = arith.constant 0 : i32
    %sign3A_59 = arith.cmpi slt, %jit3A, %sign3A_58 : i32
    %sign3A_60 = arith.extui %sign3A_59 : i1 to i32
    %sign3A_61 = arith.subi %sign3A_57, %sign3A_60 : i32
    %ne3A = arith.cmpi ne, %sign3A_54, %sign3A_61 : i32
    %rem3A = arith.remsi %add3A, %jit3A : i32
    %ne3A_62 = arith.constant 0 : i32
    %ne3A_63 = arith.cmpi ne, %rem3A, %ne3A_62 : i32
    %and3A = arith.andi %ne3A, %ne3A_63 : i1
    %sub3A = arith.constant 1 : i32
    %sub3A_64 = arith.subi %div3A, %sub3A : i32
    %select_n3A = arith.select %and3A, %sub3A_64, %div3A : i32
    %jit3A_65 = arith.constant 2 : i32
    %eq3A = arith.constant 0 : i32
    %eq3A_66 = arith.cmpi eq, %jit3A_65, %eq3A : i32
    %jit3A_67 = arith.constant 1 : i32
    %select_n3A_68 = arith.select %eq3A_66, %jit3A_67, %jit3A_65 : i32
    %rem3A_69 = arith.remsi %add3A, %select_n3A_68 : i32
    %ne3A_70 = arith.constant 0 : i32
    %ne3A_71 = arith.cmpi ne, %rem3A_69, %ne3A_70 : i32
    %lt3A = arith.constant 0 : i32
    %lt3A_72 = arith.cmpi slt, %rem3A_69, %lt3A : i32
    %lt3A_73 = arith.constant 0 : i32
    %lt3A_74 = arith.cmpi slt, %select_n3A_68, %lt3A_73 : i32
    %ne3A_75 = arith.xori %lt3A_72, %lt3A_74 : i1
    %and3A_76 = arith.andi %ne3A_75, %ne3A_71 : i1
    %add3A_77 = arith.addi %rem3A_69, %select_n3A_68 : i32
    %select_n3A_78 = arith.select %and3A_76, %add3A_77, %rem3A_69 : i32
    %mul3A_79 = arith.constant 288 : i32
    %mul3A_80 = arith.muli %select_n3A_78, %mul3A_79 : i32
    "tpu.region"() ({
      %run_scoped3A = tpu.sem_alloc : memref<!tpu.dma_semaphore, #tpu.memory_space<semaphore_mem>>
      %dma_start3A_81 = arith.constant 0 : i32
      %dma_start3A_82 = tpu.memref_slice %arg4[%select_n3A, %mul3A_80, %dma_start3A_81] : memref<16x576x64xf32, #tpu.memory_space<hbm>> -> memref<1x288x64xf32, #tpu.memory_space<hbm>>
      %dma_start3A_83 = tpu.memref_squeeze %dma_start3A_82 : memref<1x288x64xf32, #tpu.memory_space<hbm>> -> memref<288x64xf32, #tpu.memory_space<hbm>>
      %dma_start3A_84 = arith.constant 0 : i32
      %dma_start3A_85 = tpu.memref_slice %arg4[%select_n3A, %mul3A_80, %dma_start3A_84] : memref<16x576x64xf32, #tpu.memory_space<hbm>> -> memref<1x288x64xf32, #tpu.memory_space<hbm>>
      %dma_start3A_86 = tpu.memref_squeeze %dma_start3A_85 : memref<1x288x64xf32, #tpu.memory_space<hbm>> -> memref<288x64xf32, #tpu.memory_space<hbm>>
      tpu.enqueue_dma source(%arg6 : memref<288x64xf32, #tpu.memory_space<vmem>>) target(%dma_start3A_86 : memref<288x64xf32, #tpu.memory_space<hbm>>) target_semaphore(%run_scoped3A : memref<!tpu.dma_semaphore, #tpu.memory_space<semaphore_mem>>)
      %dma_wait3A_87 = arith.constant 0 : i32
      %dma_wait3A_88 = tpu.memref_slice %arg4[%select_n3A, %mul3A_80, %dma_wait3A_87] : memref<16x576x64xf32, #tpu.memory_space<hbm>> -> memref<1x288x64xf32, #tpu.memory_space<hbm>>
      %dma_wait3A_89 = tpu.memref_squeeze %dma_wait3A_88 : memref<1x288x64xf32, #tpu.memory_space<hbm>> -> memref<288x64xf32, #tpu.memory_space<hbm>>
      %dma_wait3A_90 = arith.constant 0 : i32
      %dma_wait3A_91 = tpu.memref_slice %arg4[%select_n3A, %mul3A_80, %dma_wait3A_90] : memref<16x576x64xf32, #tpu.memory_space<hbm>> -> memref<1x288x64xf32, #tpu.memory_space<hbm>>
      %dma_wait3A_92 = tpu.memref_squeeze %dma_wait3A_91 : memref<1x288x64xf32, #tpu.memory_space<hbm>> -> memref<288x64xf32, #tpu.memory_space<hbm>>
      tpu.wait_dma2 semaphore(%run_scoped3A : memref<!tpu.dma_semaphore, #tpu.memory_space<semaphore_mem>>) src(%arg6 : memref<288x64xf32, #tpu.memory_space<vmem>>) dst(%dma_wait3A_92 : memref<288x64xf32, #tpu.memory_space<hbm>>)
      tpu.yield
    }) : () -> ()
    return
  }
}

module attributes {stable_mosaic.version = 14 : i64} {
  func.func @_tc_a_body(%arg0: i32, %arg1: memref<4x576x64xf32, #tpu.memory_space<vmem>>, %arg2: memref<1024x64xf32, #tpu.memory_space<vmem>>, %arg3: memref<9216xi32, #tpu.memory_space<vmem>>, %arg4: memref<1x1xf32, #tpu.memory_space<vmem>>, %arg5: memref<1x1xf32, #tpu.memory_space<smem>>) attributes {dimension_semantics = [#tpu.dimension_semantics<arbitrary>], iteration_bounds = array<i64: 4>, scalar_prefetch = 0 : i64, scratch_operands = 1 : i64, tpu.core_type = #tpu.core_type<tc>, window_params = [{transform_indices = @transform_0, window_bounds = array<i64: 4, 576, 64>}, {pipeline_mode = #tpu.pipeline_mode<synchronous>, transform_indices = @transform_1, window_bounds = array<i64: 1024, 64>}, {pipeline_mode = #tpu.pipeline_mode<synchronous>, transform_indices = @transform_2, window_bounds = array<i64: 9216>}, {pipeline_mode = #tpu.pipeline_mode<synchronous>, transform_indices = @transform_3, window_bounds = array<i64: 1, 1>}]} {
    %get3A = arith.constant 0 : index
    %get3A_0 = arith.constant 0 : index
    %get3A_1 = arith.constant 0 : index
    %get3A_2 = vector.load %arg1[%get3A, %get3A_0, %get3A_1] : memref<4x576x64xf32, #tpu.memory_space<vmem>>, vector<4x576x64xf32>
    %reshape3A = vector.shape_cast %get3A_2 : vector<4x576x64xf32> to vector<2304x64xf32>
    %get3A_3 = arith.constant 0 : index
    %get3A_4 = arith.constant 0 : index
    %get3A_5 = vector.load %arg2[%get3A_3, %get3A_4] : memref<1024x64xf32, #tpu.memory_space<vmem>>, vector<1024x64xf32>
    %mul3A = arith.mulf %reshape3A, %reshape3A : vector<2304x64xf32>
    %broadcast_in_dim3A = arith.constant 1.000000e+00 : f32
    %broadcast_in_dim3A_6 = vector.broadcast %broadcast_in_dim3A : f32 to vector<1x64xf32>
    %dot_general3A = arith.constant dense<0.000000e+00> : vector<1x2304xf32>
    %dot_general3A_7 = tpu.matmul %broadcast_in_dim3A_6, %mul3A, %dot_general3A {dimension_numbers = #tpu.dot_dimension_numbers<[1], [1], [0], [0], [0, 0, 1, 0], [], []>, precision = #tpu.contract_precision<fp32>, transpose_lhs_hint = false} : vector<1x64xf32>, vector<2304x64xf32>, vector<1x2304xf32> -> vector<1x2304xf32>
    %mul3A_8 = arith.mulf %get3A_5, %get3A_5 : vector<1024x64xf32>
    %reduce_sum3A = arith.constant dense<0.000000e+00> : vector<1024xf32>
    %reduce_sum3A_9 = vector.multi_reduction <add>, %mul3A_8, %reduce_sum3A [1] : vector<1024x64xf32> to vector<1024xf32>
    %broadcast_in_dim3A_10 = vector.shape_cast %reduce_sum3A_9 : vector<1024xf32> to vector<1024x1xf32>
    %dot_general3A_11 = arith.constant dense<0.000000e+00> : vector<1024x2304xf32>
    %dot_general3A_12 = tpu.matmul %get3A_5, %reshape3A, %dot_general3A_11 {dimension_numbers = #tpu.dot_dimension_numbers<[1], [1], [0], [0], [0, 0, 1, 0], [], []>, transpose_lhs_hint = false} : vector<1024x64xf32>, vector<2304x64xf32>, vector<1024x2304xf32> -> vector<1024x2304xf32>
    %add3A = vector.broadcast %dot_general3A_7 : vector<1x2304xf32> to vector<1024x2304xf32>
    %add3A_13 = vector.broadcast %broadcast_in_dim3A_10 : vector<1024x1xf32> to vector<1024x2304xf32>
    %add3A_14 = arith.addf %add3A, %add3A_13 : vector<1024x2304xf32>
    %mul3A_15 = arith.constant 2.000000e+00 : f32
    %mul3A_16 = vector.broadcast %mul3A_15 : f32 to vector<1024x2304xf32>
    %mul3A_17 = arith.mulf %mul3A_16, %dot_general3A_12 : vector<1024x2304xf32>
    %sub3A = arith.subf %add3A_14, %mul3A_17 : vector<1024x2304xf32>
    %reduce_min3A = arith.constant dense<0x7F800000> : vector<2304xf32>
    %reduce_min3A_18 = vector.multi_reduction <minimumf>, %sub3A, %reduce_min3A [0] : vector<1024x2304xf32> to vector<2304xf32>
    %broadcast_in_dim3A_19 = vector.shape_cast %reduce_min3A_18 : vector<2304xf32> to vector<1x2304xf32>
    %iota3A = tpu.iota {dimensions = array<i32: 0>} : vector<1024x1xi32>
    %convert_element_type3A = arith.sitofp %iota3A : vector<1024x1xi32> to vector<1024x1xf32>
    %eq3A = vector.broadcast %broadcast_in_dim3A_19 : vector<1x2304xf32> to vector<1024x2304xf32>
    %eq3A_20 = arith.cmpf oeq, %sub3A, %eq3A : vector<1024x2304xf32>
    %jit3A = arith.constant 2.048000e+03 : f32
    %broadcast_in_dim3A_21 = vector.shape_cast %convert_element_type3A : vector<1024x1xf32> to vector<1024x1xf32>
    %broadcast_in_dim3A_22 = vector.broadcast %broadcast_in_dim3A_21 : vector<1024x1xf32> to vector<1024x2304xf32>
    %broadcast_in_dim3A_23 = vector.broadcast %jit3A : f32 to vector<1024x2304xf32>
    %select_n3A = arith.select %eq3A_20, %broadcast_in_dim3A_22, %broadcast_in_dim3A_23 : vector<1024x2304xi1>, vector<1024x2304xf32>
    %reduce_min3A_24 = arith.constant dense<0x7F800000> : vector<2304xf32>
    %reduce_min3A_25 = vector.multi_reduction <minimumf>, %select_n3A, %reduce_min3A_24 [0] : vector<1024x2304xf32> to vector<2304xf32>
    %broadcast_in_dim3A_26 = vector.shape_cast %reduce_min3A_25 : vector<2304xf32> to vector<1x2304xf32>
    %squeeze3A = vector.shape_cast %broadcast_in_dim3A_26 : vector<1x2304xf32> to vector<2304xf32>
    %convert_element_type3A_27 = arith.fptosi %squeeze3A : vector<2304xf32> to vector<2304xi32>
    %mul3A_28 = arith.constant 2304 : i32
    %mul3A_29 = arith.muli %arg0, %mul3A_28 : i32
    %swap3A = arith.index_cast %mul3A_29 : i32 to index
    %swap3A_30 = vector.load %arg3[%swap3A] : memref<9216xi32, #tpu.memory_space<vmem>>, vector<2304xi32>
    tpu.vector_store %arg3[%swap3A], %convert_element_type3A_27 {strides = array<i32>} : memref<9216xi32, #tpu.memory_space<vmem>>, vector<2304xi32>,
    %reduce_sum3A_31 = vector.shape_cast %broadcast_in_dim3A_19 : vector<1x2304xf32> to vector<1x1x2304xf32>
    %reduce_sum3A_32 = arith.constant dense<0.000000e+00> : vector<1xf32>
    %reduce_sum3A_33 = vector.multi_reduction <add>, %reduce_sum3A_31, %reduce_sum3A_32 [1, 2] : vector<1x1x2304xf32> to vector<1xf32>
    %reduce_sum3A_34 = vector.shape_cast %reduce_sum3A_33 : vector<1xf32> to vector<1x1x1xf32>
    %reduce_sum3A_35 = vector.extract %reduce_sum3A_34[0, 0, 0] : f32 from vector<1x1x1xf32>
    %eq3A_36 = arith.constant 0 : i32
    %eq3A_37 = arith.cmpi eq, %arg0, %eq3A_36 : i32
    %convert_element_type3A_38 = arith.extui %eq3A_37 : i1 to i32
    %cond3A = arith.constant 0 : i32
    %cond3A_39 = arith.cmpi ne, %convert_element_type3A_38, %cond3A : i32
    scf.if %cond3A_39 {
      %swap3A_49 = arith.constant 0 : index
      %swap3A_50 = arith.constant 0 : index
      %swap3A_51 = memref.load %arg5[%swap3A_49, %swap3A_50] : memref<1x1xf32, #tpu.memory_space<smem>>
      memref.store %reduce_sum3A_35, %arg5[%swap3A_49, %swap3A_50] : memref<1x1xf32, #tpu.memory_space<smem>>
    } else {
    }
    %gt3A = arith.constant 0 : i32
    %gt3A_40 = arith.cmpi sgt, %arg0, %gt3A : i32
    %convert_element_type3A_41 = arith.extui %gt3A_40 : i1 to i32
    %cond3A_42 = arith.constant 0 : i32
    %cond3A_43 = arith.cmpi ne, %convert_element_type3A_41, %cond3A_42 : i32
    scf.if %cond3A_43 {
      %get3A_49 = arith.constant 0 : index
      %get3A_50 = arith.constant 0 : index
      %get3A_51 = memref.load %arg5[%get3A_49, %get3A_50] : memref<1x1xf32, #tpu.memory_space<smem>>
      %add3A_52 = arith.addf %get3A_51, %reduce_sum3A_35 : f32
      %swap3A_53 = arith.constant 0 : index
      %swap3A_54 = arith.constant 0 : index
      %swap3A_55 = memref.load %arg5[%swap3A_53, %swap3A_54] : memref<1x1xf32, #tpu.memory_space<smem>>
      memref.store %add3A_52, %arg5[%swap3A_53, %swap3A_54] : memref<1x1xf32, #tpu.memory_space<smem>>
    } else {
    }
    %eq3A_44 = arith.constant 3 : i32
    %eq3A_45 = arith.cmpi eq, %arg0, %eq3A_44 : i32
    %convert_element_type3A_46 = arith.extui %eq3A_45 : i1 to i32
    %cond3A_47 = arith.constant 0 : i32
    %cond3A_48 = arith.cmpi ne, %convert_element_type3A_46, %cond3A_47 : i32
    scf.if %cond3A_48 {
      %get3A_49 = arith.constant 0 : index
      %get3A_50 = arith.constant 0 : index
      %get3A_51 = memref.load %arg5[%get3A_49, %get3A_50] : memref<1x1xf32, #tpu.memory_space<smem>>
      %div3A = arith.constant 5.898240e+05 : f32
      %div3A_52 = arith.divf %get3A_51, %div3A : f32
      %mul3A_53 = arith.constant 1.250000e+00 : f32
      %mul3A_54 = arith.mulf %mul3A_53, %div3A_52 : f32
      %broadcast_in_dim3A_55 = vector.broadcast %mul3A_54 : f32 to vector<1x1xf32>
      %swap3A_56 = arith.constant 0 : index
      %swap3A_57 = arith.constant 0 : index
      %swap3A_58 = vector.load %arg4[%swap3A_56, %swap3A_57] : memref<1x1xf32, #tpu.memory_space<vmem>>, vector<1x1xf32>
      tpu.vector_store %arg4[%swap3A_56, %swap3A_57], %broadcast_in_dim3A_55 {strides = array<i32>} : memref<1x1xf32, #tpu.memory_space<vmem>>, vector<1x1xf32>,
    } else {
    }
    return
  }
  func.func @transform_0(%arg0: i32) -> (i32, i32, i32) {
    %c0_i32 = arith.constant 0 : i32
    %c0_i32_0 = arith.constant 0 : i32
    %c0_i32_1 = arith.constant 0 : i32
    return %arg0, %c0_i32, %c0_i32_0 : i32, i32, i32
  }
  func.func @transform_1(%arg0: i32) -> (i32, i32) {
    %c0_i32 = arith.constant 0 : i32
    %c0_i32_0 = arith.constant 0 : i32
    %c0_i32_1 = arith.constant 0 : i32
    return %c0_i32, %c0_i32_0 : i32, i32
  }
  func.func @transform_2(%arg0: i32) -> i32 {
    %c0_i32 = arith.constant 0 : i32
    %c0_i32_0 = arith.constant 0 : i32
    return %c0_i32 : i32
  }
  func.func @transform_3(%arg0: i32) -> (i32, i32) {
    %c0_i32 = arith.constant 0 : i32
    %c0_i32_0 = arith.constant 0 : i32
    %c0_i32_1 = arith.constant 0 : i32
    return %c0_i32, %c0_i32_0 : i32, i32
  }
}

module attributes {stable_mosaic.version = 14 : i64} {
  func.func @_tc_b_body(%arg0: memref<9216xi32, #tpu.memory_space<vmem>>, %arg1: memref<1x1xf32, #tpu.memory_space<vmem>>) attributes {dimension_semantics = [], scalar_prefetch = 0 : i64, scratch_operands = 0 : i64, tpu.core_type = #tpu.core_type<tc>} {
    %get3A = arith.constant 0 : index
    %get3A_0 = vector.load %arg0[%get3A] : memref<9216xi32, #tpu.memory_space<vmem>>, vector<9216xi32>
    %reshape3A = vector.shape_cast %get3A_0 : vector<9216xi32> to vector<1x9216xi32>
    %convert_element_type3A = arith.sitofp %reshape3A : vector<1x9216xi32> to vector<1x9216xf32>
    %iota3A = tpu.iota {dimensions = array<i32: 0>} : vector<1024x1xi32>
    %convert_element_type3A_1 = arith.sitofp %iota3A : vector<1024x1xi32> to vector<1024x1xf32>
    %eq3A = vector.broadcast %convert_element_type3A : vector<1x9216xf32> to vector<1024x9216xf32>
    %eq3A_2 = vector.broadcast %convert_element_type3A_1 : vector<1024x1xf32> to vector<1024x9216xf32>
    %eq3A_3 = arith.cmpf oeq, %eq3A, %eq3A_2 : vector<1024x9216xf32>
    %convert_element_type3A_4 = arith.extui %eq3A_3 : vector<1024x9216xi1> to vector<1024x9216xi32>
    %convert_element_type3A_5 = arith.sitofp %convert_element_type3A_4 : vector<1024x9216xi32> to vector<1024x9216xf32>
    %broadcast_in_dim3A = arith.constant 1.000000e+00 : f32
    %broadcast_in_dim3A_6 = vector.broadcast %broadcast_in_dim3A : f32 to vector<1x9216xf32>
    %dot_general3A = arith.constant dense<0.000000e+00> : vector<1024x1xf32>
    %dot_general3A_7 = tpu.matmul %convert_element_type3A_5, %broadcast_in_dim3A_6, %dot_general3A {dimension_numbers = #tpu.dot_dimension_numbers<[1], [1], [0], [0], [0, 0, 1, 0], [], []>, transpose_lhs_hint = false} : vector<1024x9216xf32>, vector<1x9216xf32>, vector<1024x1xf32> -> vector<1024x1xf32>
    %div3A = arith.constant 9.216000e+03 : f32
    %div3A_8 = vector.broadcast %div3A : f32 to vector<1024x1xf32>
    %div3A_9 = arith.divf %dot_general3A_7, %div3A_8 : vector<1024x1xf32>
    %add3A = arith.constant 1.000000e-10 : f32
    %add3A_10 = vector.broadcast %add3A : f32 to vector<1024x1xf32>
    %add3A_11 = arith.addf %div3A_9, %add3A_10 : vector<1024x1xf32>
    %log3A = math.log %add3A_11 : vector<1024x1xf32>
    %mul3A = arith.mulf %div3A_9, %log3A : vector<1024x1xf32>
    %reduce_sum3A = arith.constant dense<0.000000e+00> : vector<1xf32>
    %reduce_sum3A_12 = vector.multi_reduction <add>, %mul3A, %reduce_sum3A [0] : vector<1024x1xf32> to vector<1xf32>
    %broadcast_in_dim3A_13 = vector.shape_cast %reduce_sum3A_12 : vector<1xf32> to vector<1x1xf32>
    %neg3A = arith.constant 0.000000e+00 : f32
    %neg3A_14 = vector.broadcast %neg3A : f32 to vector<1x1xf32>
    %neg3A_15 = arith.subf %neg3A_14, %broadcast_in_dim3A_13 : vector<1x1xf32>
    %exp3A = math.exp %neg3A_15 : vector<1x1xf32>
    %swap3A = arith.constant 0 : index
    %swap3A_16 = arith.constant 0 : index
    %swap3A_17 = vector.load %arg1[%swap3A, %swap3A_16] : memref<1x1xf32, #tpu.memory_space<vmem>>, vector<1x1xf32>
    tpu.vector_store %arg1[%swap3A, %swap3A_16], %exp3A {strides = array<i32>} : memref<1x1xf32, #tpu.memory_space<vmem>>, vector<1x1xf32>,
    return
  }
}

</mosaic_0001>

<sc_bundles>
// kernel: kernel.5.cloned.1.call-start
scs
__scs_entry_jumppad:
0x0: {  	(pc) =	sbr.rel $0x88, $3  }
0x1: {  	(tag) =	ssettag $0x0;
	lr =	simm.s32 $0x1  }
0x2: {  	[smem:$0x3F9F] =	sst lr;
	_ =	strace $0xD0000000  }
0x3: {  	_ = 	snop  }
0x4: {  	_ = 	snop  }
0x5: {  	_ = 	snop  }
0x6: {  	_ = 	snop  }
0x7: {  	_ = 	snop  }
__scs_overlays_trampoline_lowered:
0x8: {  	[smem:$0x3FAE] =	sst s0  }
0x9: {  	[smem:$0x3FAF] =	sst s1  }
0xa: {  	[smem:$0x3FB0] =	sst s2  }
0xb: {  	[smem:$0x3FB1] =	sst s3  }
0xc: {  	[smem:$0x3FB2] =	sst s4  }
0xd: {  	[smem:$0x3FB3] =	sst s5  }
0xe: {  	[smem:$0x3FB4] =	sst s6  }
0xf: {  	[smem:$0x3FB5] =	sst s7  }
0x10: {  	[smem:$0x3FB6] =	sst s8  }
0x11: {  	[smem:$0x3FB7] =	sst s9;
	s0 =	simm.s32 @!p0 $0x0  }
0x12: {  	s1 =	sld [smem:$0x3F9D];
	s0 =	simm.s32 @p0 $0x1  }
0x13: {  	[smem:$0x3FB8] =	sst s0;
	s0 =	simm.s32 @!p1 $0x0  }
0x14: {  	s2 =	sld [smem:$0x3F9C];
	s0 =	simm.s32 @p1 $0x1  }
0x15: {  	[smem:$0x3FB9] =	sst s0;
	s0 =	simm.s32 @!p2 $0x0  }
0x16: {  	s3 =	sld [smem:$0x3FDB];
	s0 =	simm.s32 @p2 $0x1  }
0x17: {  	s4 =	simm.s32 $0x1BF5;
	[smem:$0x3FBB] =	sst s0  }
0x18: {  	s0 =	sld [smem:$0x3F9E];
	_ =	swait.ge [sflag:s4], $0x0  }
0x19: {  	s7 =	sld [smem:$0x3F9F]  }
0x1a: {  	s8 =	sadd.s32 $0xFFFFE003, lr  }
0x1b: {  	s9 =	sadd.s32 $0xFFFFFEF7, lr;
	s5 =	simm.s32 $0xFFFFFFFF;
	p2 =	slt.u32 s8, $0xFFFFF086  }
0x1c: {  	p1 =	slt.u32 s9, $0xF7A;
	s5 =	simm.s32 @!p2 $0x0  }
0x1d: {  	s5 =	simm.s32 @p1 $0x1;
	p0 =	seq.s32 s7, s2  }
0x1e: {  	s7 =	smul.u32 @!p0 $0xF7A, s2;
	p2 =	seq.s32 @!p0 s5, $0x0  }
0x1f: {  	s9 =	smul.u32 $0xF7A, s1;
	s8 =	simm.s32 @!p0 $0x1BF5;
	p2 =	por !p2, p0  }
0x20: {  	[sflag:s8] =	ssyncset.s32 @!p0 $0xFFFFF086;
	s6 =	sadd.s32 @!p0 s3, s7;
	s7 =	simm.s32 @!p0 $0x108  }
0x21: {  	s3 =	sadd.s32 s3, s9;
	s6 =	sadd.s32 @!p0 $0x88, s6;
	s7 =	simm.s32 @p2 $0x1082  }
0x22: {  	[simem:s7], [sflag:s8] =	dma.local @!p0 [hbm:s6], $0xF7A  }
0x23: {  	s9 =	sor.u32 $0xD0000000, s2;
	s6 =	simm.s32 $0x108;
	_ =	swait.ge @!p0 [sflag:s8], $0x0  }
0x24: {  	s3 =	sadd.s32 $0x88, s3;
	s6 =	simm.s32 @!p1 $0x1082;
	[sflag:s4] =	ssyncset.s32 $0xFFFFF086  }
0x25: {  	[simem:s6], [sflag:s4] =	dma.local [hbm:s3], $0xF7A  }
0x26: {  	[smem:$0x3F9F] =	sst s1;
	(tag) =	ssettag s2;
	_ =	strace s9  }
0x27: {  	s1 =	sld [smem:$0x3FAF]  }
0x28: {  	s2 =	sld [smem:$0x3FB0]  }
0x29: {  	s4 =	sld [smem:$0x3FB2]  }
0x2a: {  	p0 =	seq.s32 s5, $0x0;
	s5 =	sld [smem:$0x3FB3]  }
0x2b: {  	s6 =	sld [smem:$0x3FB4]  }
0x2c: {  	s7 =	sld [smem:$0x3FB5]  }
0x2d: {  	s3 =	simm.s32 $0x108;
	s8 =	sld [smem:$0x3FB6]  }
0x2e: {  	s3 =	simm.s32 @!p0 $0x1082;
	s9 =	sld [smem:$0x3FB7]  }
0x2f: {  	lr =	sadd.s32 s0, s3;
	s0 =	sld [smem:$0x3FAE]  }
0x30: {  	s3 =	sld [smem:$0x3FB1]  }
0x31: {  	[smem:$0x3FBA] =	sst s10  }
0x32: {  	s10 =	sld [smem:$0x3FB8];
	_ =	sdelay $0x3  }
0x33: {  	p0 =	seq.s32 s10, $0x1;
	s10 =	sld [smem:$0x3FBA];
	_ =	sdelay $0x3  }
0x34: {  	[smem:$0x3FBA] =	sst s10  }
0x35: {  	s10 =	sld [smem:$0x3FB9];
	_ =	sdelay $0x3  }
0x36: {  	p1 =	seq.s32 s10, $0x1;
	s10 =	sld [smem:$0x3FBA];
	_ =	sdelay $0x3  }
0x37: {  	[smem:$0x3FBA] =	sst s10  }
0x38: {  	s10 =	sld [smem:$0x3FBB]  }
0x39: {  	_ = 	snop;
	(pc) =	sbr.ind lr, $3  }
0x3a: {  	_ = 	snop  }
0x3b: {  	_ = 	snop  }
0x3c: {  	p2 =	seq.s32 s10, $0x1;
	s10 =	sld [smem:$0x3FBA]  }
0x3d: {  	_ =	shalt  }
0x3e: {  	_ =	shalt  }
0x3f: {  	_ =	shalt  }
0x40: {  	_ =	shalt  }
0x41: {  	_ =	shalt  }
0x42: {  	_ =	shalt  }
0x43: {  	_ =	shalt  }
0x44: {  	_ =	shalt  }
0x45: {  	_ =	shalt  }
0x46: {  	_ =	shalt  }
0x47: {  	_ =	shalt  }
0x48: {  	_ =	shalt  }
0x49: {  	_ =	shalt  }
0x4a: {  	_ =	shalt  }
0x4b: {  	_ =	shalt  }
0x4c: {  	_ =	shalt  }
0x4d: {  	_ =	shalt  }
0x4e: {  	_ =	shalt  }
0x4f: {  	_ =	shalt  }
0x50: {  	_ =	shalt  }
0x51: {  	_ =	shalt  }
0x52: {  	_ =	shalt  }
0x53: {  	_ =	shalt  }
0x54: {  	_ =	shalt  }
0x55: {  	_ =	shalt  }
0x56: {  	_ =	shalt  }
0x57: {  	_ =	shalt  }
0x58: {  	_ =	shalt  }
0x59: {  	_ =	shalt  }
0x5a: {  	_ =	shalt  }
0x5b: {  	_ =	shalt  }
0x5c: {  	_ =	shalt  }
0x5d: {  	_ =	shalt  }
0x5e: {  	_ =	shalt  }
0x5f: {  	_ =	shalt  }
0x60: {  	_ =	shalt  }
0x61: {  	_ =	shalt  }
0x62: {  	_ =	shalt  }
0x63: {  	_ =	shalt  }
0x64: {  	_ =	shalt  }
0x65: {  	_ =	shalt  }
0x66: {  	_ =	shalt  }
0x67: {  	_ =	shalt  }
0x68: {  	_ =	shalt  }
0x69: {  	_ =	shalt  }
0x6a: {  	_ =	shalt  }
0x6b: {  	_ =	shalt  }
0x6c: {  	_ =	shalt  }
0x6d: {  	_ =	shalt  }
0x6e: {  	_ =	shalt  }
0x6f: {  	_ =	shalt  }
0x70: {  	_ =	shalt  }
0x71: {  	_ =	shalt  }
0x72: {  	_ =	shalt  }
0x73: {  	_ =	shalt  }
0x74: {  	_ =	shalt  }
0x75: {  	_ =	shalt  }
0x76: {  	_ =	shalt  }
0x77: {  	_ =	shalt  }
0x78: {  	_ =	shalt  }
0x79: {  	_ =	shalt  }
0x7a: {  	_ =	shalt  }
0x7b: {  	_ =	shalt  }
0x7c: {  	_ =	shalt  }
0x7d: {  	_ =	shalt  }
0x7e: {  	_ =	shalt  }
0x7f: {  	_ =	shalt  }
0x80: {  	_ =	shalt  }
0x81: {  	_ =	shalt  }
0x82: {  	_ =	shalt  }
0x83: {  	_ =	shalt  }
0x84: {  	_ =	shalt  }
0x85: {  	_ =	shalt  }
0x86: {  	_ =	shalt  }
0x87: {  	_ =	shalt  }
.Lfunc_end0:
.L_simem_size_0:
called_computation_lowered:
.L_overlay_start_0:
0x88: {  	s2 =	sld [smem:$0x3FD9]  }
0x89: {  	s3 =	sld [smem:$0x3FFE];
	_ =	sdelay $0x1  }
0x8a: {  	s1 =	srdreg.scid  }
0x8b: {  	s0 =	sand.u32 $0x1, s1  }
0x8c: {  	s14 =	sshll.u32 s0, $0xA;
	s2 =	sadd.s32 s3, s2  }
0x8d: {  	s2 =	sadd.s32 s2, s14  }
0x8e: {  	[smem:$0x3FC6] =	sst s2  }
0x8f: {  	_ = 	snop  }
0x90: {  	s2 =	sld [smem:$0x3FD0];
	_ =	sdelay $0x2  }
0x91: {  	s15 =	simm.s32 $0xA;
	s4 =	simm.s32 $0x10  }
0x92: {  	[smem:s4], [sflag:s15] =	dma.local [hbm:s2], $0x1  }
0x93: {  	_ =	swait.eq [sflag:s15], $0x1  }
0x94: {  	[sflag:s15] =	ssyncset.done $0x0  }
0x95: {  	s16 =	sld [smem:$0x11];
	[sflag:s15] =	ssyncadd.s32 $0xFFFFFFFF  }
0x96: {  	s17 =	sld [smem:$0x12];
	(tm) =	ssettm $0x1  }
0x97: {  	s18 =	sld [smem:$0x3FFB];
	_ =	sdelay $0x3  }
0x98: {  	_ =	strace s18  }
0x99: {  	s4 =	sld [smem:$0x3FFC];
	_ =	sdelay $0x3  }
0x9a: {  	_ =	strace s4  }
0x9b: {  	s4 =	sld [smem:$0x3FFD];
	_ =	sdelay $0x3  }
0x9c: {  	_ =	strace s4  }
0x9d: {  	_ =	strace $0x8FFFFFFF  }
0x9e: {  	s19 =	sld [smem:$0x3FDB];
	_ =	sdelay $0x1  }
0x9f: {  	s5 =	simm.s32 $_scs_section_size  }
0xa0: {  	s6 =	simm.s32 $_size__tile_overlayer_lowered;
	s7 =	simm.s32 $_tile_overlayer_lowered  }
0xa1: {  	s22 =	simm.s32 $0x1BFF;
	s21 =	sshll.u32 s7, $0x1;
	s4 =	sadd.s32 s5, s19  }
0xa2: {  	s8 =	simm.s32 $0x0;
	s20 =	sshll.u32 s6, $0x1;
	s6 =	sadd.s32 s21, s4  }
0xa3: {  	[timem:s8], [sflag:s22] =	dma.local [hbm:s6], s20  }
0xa4: {  	_ =	swait.ge [sflag:s22], s20  }
0xa5: {  	s5 =	ssub.s32 $0x0, s20;
	[sflag:s22] =	ssyncset.done $0x0  }
0xa6: {  	[sflag:s22] =	ssyncadd.s32 s5;
	_ =	sdelay $0x1  }
0xa7: {  	s23 =	simm.s32 $0x1B8B  }
0xa8: {  	_ =	swait.ge [sflag:s23], $0x1  }
0xa9: {  	[sflag:s23] =	ssyncset.done $0x0  }
0xaa: {  	s25 =	simm.s32 $0x1B8E;
	s24 =	sld [smem:$0x3FFE];
	[sflag:s23] =	ssyncadd.s32 $0xFFFFFFFF  }
0xab: {  	s26 =	simm.s32 $execute0_lowered;
	[smem:$0x3FD2] =	sst s25  }
0xac: {  	s6 =	sshll.u32 s26, $0x1;
	_ =	strace $0x80000046;
	[dreg:$0x1] =	wrdreg $0xFFFFFFFF  }
0xad: {  	s28 =	simm.s32 $_size_execute0_lowered;
	s4 =	sadd.s32 s4, s6;
	[dreg:$0x0] =	wrdreg $0x0  }
0xae: {  	s6 =	sshll.u32 s28, $0x1;
	[dreg:$0x2] =	wrdreg s4  }
0xaf: {  	[dreg:$0x3] =	wrdreg s6  }
0xb0: {  	[dreg:$0x4] =	wrdreg $0xC0  }
0xb1: {  	_ =	task [dreg:s8], $0x5FFFF  }
0xb2: {  	[dreg:$0x1] =	wrdreg $0xFFFFFFFF  }
0xb3: {  	[dreg:$0x0] =	wrdreg $0x60  }
0xb4: {  	[dreg:$0x2] =	wrdreg s24  }
0xb5: {  	[dreg:$0x3] =	wrdreg s17  }
0xb6: {  	[dreg:$0x4] =	wrdreg s16  }
0xb7: {  	[dreg:$0x5] =	wrdreg $0x9  }
0xb8: {  	_ =	task.clear_ibuf [dreg:s8], $0x6FFFF;
	_ =	strace $0x90000046  }
0xb9: {  	s29 =	simm.s32 $0x9;
	_ =	strace $0x80000048  }
0xba: {  	_ =	swait.ge [sflag:s29], $0x1  }
0xbb: {  	[sflag:s29] =	ssyncadd.s32 $0xFFFFFFFF  }
0xbc: {  	_ =	strace $0x90000048  }
0xbd: {  	_ =	sfence  }
0xbe: {  	s30 =	sld [smem:$0x0];
	_ =	sdelay $0x2  }
0xbf: {  	s31 =	sshll.u32 s1, $0xD;
	s1 =	sshrl.u32 s1, $0x2  }
0xc0: {  	s3 =	sand.u32 $0x4000, s31;
	s1 =	sadd.s32 s1, s30  }
0xc1: {  	s0 =	sor.u32 s3, s0;
	s1 =	sshll.u32 s1, $0x11  }
0xc2: {  	s0 =	sor.u32 s1, s0  }
0xc3: {  	s0 =	sadd.s32 $0x8F2B, s0  }
0xc4: {  	[sflag:s0] =	ssyncadd.remote.s32 $0x1  }
0xc5: {  	_ =	sfence.sel $0xFFFF  }
0xc6: {  	[dreg:$0x0] =	wrdreg $0xFFFFFFFF;
	(pc) =	sbr.abs _section_cstart, $3  }
0xc7: {  	[dreg:$0x1] =	wrdreg $0xFFFFFFFF  }
0xc8: {  	_ =	task.clear_ibuf [dreg:s8], $0x2FFFF;
	_ =	strace $0x9FFFFFFF  }
0xc9: {  	(tm) =	ssettm $0x7FFFFFFF  }
tec
execute0_lowered:
.L_overlay_start_1:
0x0: {  	(tag) =	ssettag $0x1  }
0x1: {  	s5 =	rddreg [dreg:$0x0]  }
0x2: {  	s1 =	srdreg.scid;
	s0 =	stileid.u32  }
0x3: {  	s3 =	rddreg [dreg:$0x1];
	s12 =	sand.u32 $0x1, s1;
	s28 =	sshll.u32 s0, $0x1  }
0x4: {  	s13 =	rddreg [dreg:$0x2];
	s8 =	sor.u32 s12, s28  }
0x5: {  	s2 =	simm.s32 $0x0;
	s1 =	rddreg [dreg:$0x3];
	s4 =	smul.u32 $0x24, s8  }
0x6: {  	[smem:$0x7FF] =	sst s2  }
0x7: {  	_ =	strace $0x80000047;
	s4 =	sadd.s32 s3, s4;
	s3 =	simm.s32 $0x2  }
0x8: {  	[tilespmem:s2], [sflag:$0x2] =	stream.linear.gather [hbm4b:s4+s2], $0x120, $0x38;
	[tilespmem:$0x4920] =	vst v63  }
0x9: {  	s6 =	simm.s32 $0x60;
	s7 =	simm.s32 $0x120;
	_ =	swait.ge [sflag:s3], $0x120  }
0xa: {  	s9 =	simm.s32 $0x1;
	s5 =	sadd.s32 $0xA00, s5;
	[sflag:s3] =	ssyncset.done $0x0  }
0xb: {  	p0 =	seq.s32 s12, $0x1;
	p1 =	seq.s32 s8, $0x0;
	[sflag:s3] =	ssyncadd.s32 $0xFFFFFEE0  }
0xc: {  	[tilespmem:s7], [sflag:$0x1] =	stream.indirect.gather [hbm4b:s5+s6], $0x40, s2, s6, $0xb8;
	[tilespmem:$0x4920] =	vst v63  }
0xd: {  	s10 =	simm.s32 $0xC0;
	s8 =	simm.s32 $0x1920;
	p1 =	por !p1, !p0  }
0xe: {  	[tilespmem:s8], [sflag:$0x1] =	stream.indirect.gather [hbm4b:s5+s6], $0x40, s6, s6, $0xb8;
	[tilespmem:$0x4920] =	vst v63  }
0xf: {  	s11 =	simm.s32 $0x3120;
	s14 =	simm.s32 $0x1;
	p1 =	por !p1, !p1  }
0x10: {  	[tilespmem:s11], [sflag:$0x1] =	stream.indirect.gather [hbm4b:s5+s6], $0x40, s10, s6, $0xb8;
	[tilespmem:$0x4920] =	vst v63  }
0x11: {  	s14 =	simm.s32 @!p1 $0x0;
	_ =	swait.ge [sflag:s9], $0x1800  }
0x12: {  	s15 =	simm.s32 $0x4800;
	s14 =	ssub.s32 s0, s14;
	[sflag:s9] =	ssyncset.done $0x0  }
0x13: {  	s12 =	ssub.s32 $0x2, s12;
	s14 =	smul.u32 $0x9000, s14;
	[sflag:s9] =	ssyncadd.s32 $0xFFFFE800  }
0x14: {  	s15 =	simm.s32 @!p0 $0x0;
	s29 =	sshrl.u32 s12, $0x1;
	_ =	swait.ge [sflag:s9], $0x1800  }
0x15: {  	s14 =	sadd.s32 s15, s14;
	s15 =	ssub.s32 s12, s29;
	[sflag:s9] =	ssyncset.done $0x0  }
0x16: {  	s31 =	smax.u32 s15, $0x1;
	[sflag:s9] =	ssyncadd.s32 $0xFFFFE800  }
0x17: {  	p0 =	sne.s32 s31, $0x1;
	_ =	swait.ge [sflag:s9], $0x1800  }
.Ltmp0:
0x18: {  	s30 =	sshrl.u32 s14, $0x3;
	[sflag:s9] =	ssyncset.done $0x0;
	(pc) =	sbr.rel @!p0 .LBB2_2-.Ltmp0, $4  }
0x19: {  	s12 =	sadd.s32 s13, s30;
	[sflag:s9] =	ssyncadd.s32 $0xFFFFE800  }
0x1a: {  	[hbm4b:s12+s2] =	stream.linear.scatter [tilespmem:s7], [sflag:$0x2], $0x4800, $0x38;
	[tilespmem:$0x4920] =	vst v63  }
0x1b: {  	_ =	swait.ge [sflag:s3], $0x4800  }
0x1c: {  	s13 =	sadd.s32 $0xFFFFFFFF, s31;
	[sflag:s3] =	ssyncset.done $0x0  }
.LBB2_1:
0x1d: {  	p0 =	sne.s32 s13, $0x1;
	s13 =	sadd.s32 $0xFFFFFFFF, s13;
	[sflag:s3] =	ssyncadd.s32 $0xFFFFB800  }
0x1e: {  	[tilespmem:s2], [sflag:$0x2] =	stream.linear.gather [hbm4b:s4+s2], $0x120, $0x38;
	[tilespmem:$0x4920] =	vst v63  }
0x1f: {  	_ =	swait.ge [sflag:s3], $0x120  }
0x20: {  	[sflag:s3] =	ssyncset.done $0x0  }
0x21: {  	[sflag:s3] =	ssyncadd.s32 $0xFFFFFEE0  }
0x22: {  	[tilespmem:s7], [sflag:$0x1] =	stream.indirect.gather [hbm4b:s5+s6], $0x40, s2, s6, $0xb8;
	[tilespmem:$0x4920] =	vst v63  }
0x23: {  	_ = 	snop  }
0x24: {  	[tilespmem:s8], [sflag:$0x1] =	stream.indirect.gather [hbm4b:s5+s6], $0x40, s6, s6, $0xb8;
	[tilespmem:$0x4920] =	vst v63  }
0x25: {  	_ = 	snop  }
0x26: {  	[tilespmem:s11], [sflag:$0x1] =	stream.indirect.gather [hbm4b:s5+s6], $0x40, s10, s6, $0xb8;
	[tilespmem:$0x4920] =	vst v63  }
0x27: {  	_ =	swait.ge [sflag:s9], $0x1800  }
0x28: {  	[sflag:s9] =	ssyncset.done $0x0  }
0x29: {  	[sflag:s9] =	ssyncadd.s32 $0xFFFFE800  }
0x2a: {  	_ =	swait.ge [sflag:s9], $0x1800  }
0x2b: {  	[sflag:s9] =	ssyncset.done $0x0  }
0x2c: {  	[sflag:s9] =	ssyncadd.s32 $0xFFFFE800  }
0x2d: {  	_ =	swait.ge [sflag:s9], $0x1800  }
.Ltmp1:
0x2e: {  	[sflag:s9] =	ssyncset.done $0x0;
	(pc) =	sbr.rel @p0 .LBB2_1-.Ltmp1, $4  }
0x2f: {  	[sflag:s9] =	ssyncadd.s32 $0xFFFFE800  }
0x30: {  	[hbm4b:s12+s2] =	stream.linear.scatter [tilespmem:s7], [sflag:$0x2], $0x4800, $0x38;
	[tilespmem:$0x4920] =	vst v63  }
0x31: {  	_ =	swait.ge [sflag:s3], $0x4800  }
0x32: {  	[sflag:s3] =	ssyncset.done $0x0  }
.LBB2_2:
0x33: {  	[sflag:s3] =	ssyncadd.s32 $0xFFFFB800  }
0x34: {  	_ =	sfence.sel $0x180000  }
0x35: {  	[bflag:$0x0] =	sbarrier.arrive $0xFFFF  }
0x36: {  	p0 =	sne.s32 s0, $0x0;
	_ =	strace $0x90000047  }
0x37: {  	s0 =	sadd.s32 @!p0 $0x100000, s1;
	[bflag:$0x2] =	sbarrier.arrive $0xFFFF  }
0x38: {  	[sflag:s0] =	ssyncadd.tile.s32 @!p0 $0x1;
	_ =	shalt  }
.Lfunc_end2:
_tile_overlayer_lowered:
.L_overlay_start_2:
0x39: {  	(tag) =	ssettag $0x2  }
0x3a: {  	s0 =	rddreg [dreg:$0x0];
	s2 =	stileid.u32  }
0x3b: {  	s1 =	rddreg [dreg:$0x1];
	p0 =	sne.s32 s2, $0x0  }
0x3c: {  	s3 =	rddreg [dreg:$0x2];
	[bflag:$0x3] =	sbarrier.arrive $0xFFFF;
	s2 =	simm.s32 @!p0 $0x1C02  }
0x3d: {  	[timem:s3], [sflag:s2] =	dma.local @!p0 [hbm:s0], s1  }
0x3e: {  	s0 =	simm.s32 @!p0 $0x2  }
0x3f: {  	_ =	swait.ge @!p0 [sflag:s0], s1  }
0x40: {  	s1 =	ssub.s32 @!p0 $0x0, s1;
	[sflag:s0] =	ssyncset.done @!p0 $0x0  }
0x41: {  	[sflag:s0] =	ssyncadd.s32 @!p0 s1  }
0x42: {  	[bflag:$0x3] =	sbarrier.arrive $0xFFFF  }
0x43: {  	_ =	shalt  }

</sc_bundles>
